<compile_context>
chip_gen: v7x
topology: tpu7x:2x2x1
jax: 0.10.2.dev20260603
libtpu: 0.0.44.dev20260713+nightly
codegen_flags: <defaults>
</compile_context>

<pallas_src>
import functools

import jax
import jax.numpy as jnp
from jax import lax
from jax.experimental import pallas as pl
from jax.experimental.pallas import tpu as pltpu
from jax.experimental.pallas import tpu_sc as plsc

_CHUNKS = (64, 128, 128, 192)


def _make_gather(B: int, V: int, D: int):
    info = plsc.get_sparse_core_info()
    nw = info.num_cores * info.num_subcores
    b_per_w = B // nw
    assert b_per_w == sum(_CHUNKS)
    offs = [sum(_CHUNKS[:c]) for c in range(len(_CHUNKS))]
    stage_split = 512

    mesh = plsc.VectorSubcoreMesh(core_axis_name="c", subcore_axis_name="s")

    @functools.partial(
        pl.kernel,
        mesh=mesh,
        out_type=jax.ShapeDtypeStruct((B, D), jnp.float32),
        scratch_types=[
            pltpu.VMEM_SHARED((V, D), jnp.float32),
            pltpu.VMEM((b_per_w,), jnp.int32),
            pltpu.VMEM((b_per_w, D), jnp.float32),
        ]
        + [pltpu.SemaphoreType.DMA] * len(_CHUNKS)
        + [pltpu.SemaphoreType.DMA],
    )
    def gather_kernel(idx_hbm, table_hbm, out_hbm, table_sp, idx_v, rows_v, *sems):
        gsems, ssem = sems[: len(_CHUNKS)], sems[len(_CHUNKS)]
        sid = lax.axis_index("s")
        wid = sid * info.num_cores + lax.axis_index("c")
        base = wid * b_per_w
        pltpu.sync_copy(idx_hbm.at[pl.ds(base, b_per_w)], idx_v)
        g0 = pltpu.async_copy(
            table_hbm.at[idx_v.at[pl.ds(0, _CHUNKS[0])]],
            rows_v.at[pl.ds(0, _CHUNKS[0])],
            gsems[0],
        )

        @pl.when(sid == 0)
        def _():
            pltpu.sync_copy(
                table_hbm.at[pl.ds(0, stage_split)],
                table_sp.at[pl.ds(0, stage_split)],
            )

        @pl.when(sid == 1)
        def _():
            pltpu.sync_copy(
                table_hbm.at[pl.ds(stage_split, V - stage_split)],
                table_sp.at[pl.ds(stage_split, V - stage_split)],
            )

        g0.wait()
        stores = [
            pltpu.async_copy(
                rows_v.at[pl.ds(0, _CHUNKS[0])],
                out_hbm.at[pl.ds(base, _CHUNKS[0])],
                ssem,
            )
        ]
        plsc.subcore_barrier()
        gathers = [
            pltpu.async_copy(
                table_sp.at[idx_v.at[pl.ds(offs[c], n)]],
                rows_v.at[pl.ds(offs[c], n)],
                gsems[c],
            )
            for c, n in enumerate(_CHUNKS)
            if c > 0
        ]
        for i, (c, n) in enumerate([(c, n) for c, n in enumerate(_CHUNKS) if c > 0]):
            gathers[i].wait()
            stores.append(
                pltpu.async_copy(
                    rows_v.at[pl.ds(offs[c], n)],
                    out_hbm.at[pl.ds(base + offs[c], n)],
                    ssem,
                )
            )
        for s in stores:
            s.wait()

    return gather_kernel


@jax.jit
def kernel(condition, embed_table):
    B, = condition.shape
    V, D = embed_table.shape
    return _make_gather(B, V, D)(condition.astype(jnp.int32), embed_table)

# --- scband reference (transcript-rebuilt; emitter-appended) ---
"""Pipeline reference for scband-label-embedding-59906203845340 (READ-ONLY COPY).

The authoritative reference and input builder live on the scoring server;
editing this copy changes nothing except your own understanding.
"""

import jax, jax.numpy as jnp
import numpy as np

N_LABELS = 1000
DIM = 128
BATCH = 16384

def setup_inputs(seed: int = 0) -> dict:
    key = jax.random.key(seed)
    k1, k2 = jax.random.split(key)
    condition = jax.random.randint(k1, (BATCH,), 0, N_LABELS, dtype=jnp.int64) if jax.config.jax_enable_x64 else jax.random.randint(k1, (BATCH,), 0, N_LABELS, dtype=jnp.int32)
    embed_table = jax.random.normal(k2, (N_LABELS + 1, DIM), dtype=jnp.float32) * 0.02
    return {"condition": condition, "embed_table": embed_table}

def reference(condition, embed_table):
    # LabelEmbedding.forward with is_uncond=None: out = self.embed(condition)
    out = jnp.take(embed_table, condition, axis=0)
    return out

if __name__ == "__main__":
    import jax
    _d = setup_inputs()
    print(jax.jit(kernel)(*tuple(_d.values())))

</pallas_src>

<mosaic_0001>
#map = affine_map<(d0, d1) -> (0)>
#map1 = affine_map<(d0, d1) -> (0, 0)>
module attributes {stable_mosaic.version = 14 : i64} {
  func.func @gather_kernel(%arg0: i32, %arg1: i32, %arg2: memref<16384xi32, #tpu.memory_space<hbm>>, %arg3: memref<1001x128xf32, #tpu.memory_space<hbm>>, %arg4: memref<16384x128xf32, #tpu.memory_space<hbm>>, %arg5: memref<1001x128xf32, #tpu.memory_space<vmem_shared>>, %arg6: memref<512xi32, #tpu.memory_space<vmem>>, %arg7: memref<512x128xf32, #tpu.memory_space<vmem>>, %arg8: memref<!tpu.dma_semaphore, #tpu.memory_space<semaphore_mem>>, %arg9: memref<!tpu.dma_semaphore, #tpu.memory_space<semaphore_mem>>, %arg10: memref<!tpu.dma_semaphore, #tpu.memory_space<semaphore_mem>>, %arg11: memref<!tpu.dma_semaphore, #tpu.memory_space<semaphore_mem>>, %arg12: memref<!tpu.dma_semaphore, #tpu.memory_space<semaphore_mem>>) attributes {dimension_semantics = [#tpu.dimension_semantics<core_parallel>, #tpu.dimension_semantics<subcore_parallel>], iteration_bounds = array<i64: 2, 16>, scalar_prefetch = 0 : i64, scratch_operands = 8 : i64, tpu.core_type = #tpu.core_type<sc_vector_subcore>, window_params = [{transform_indices = #map}, {transform_indices = #map1}, {transform_indices = #map1}]} {
    %mul3A = arith.constant 2 : i32
    %mul3A_0 = arith.muli %arg1, %mul3A : i32
    %add3A = arith.addi %mul3A_0, %arg0 : i32
    %mul3A_1 = arith.constant 512 : i32
    %mul3A_2 = arith.muli %add3A, %mul3A_1 : i32
    "tpu.region"() ({
      %run_scoped3A = tpu.sem_alloc : memref<!tpu.dma_semaphore, #tpu.memory_space<semaphore_mem>>
      %dma_start3A_158 = tpu.memref_slice %arg2[%mul3A_2] : memref<16384xi32, #tpu.memory_space<hbm>> -> memref<512xi32, #tpu.memory_space<hbm>>
      %dma_start3A_159 = tpu.memref_slice %arg2[%mul3A_2] : memref<16384xi32, #tpu.memory_space<hbm>> -> memref<512xi32, #tpu.memory_space<hbm>>
      tpu.enqueue_dma source(%dma_start3A_159 : memref<512xi32, #tpu.memory_space<hbm>>) target(%arg6 : memref<512xi32, #tpu.memory_space<vmem>>) target_semaphore(%run_scoped3A : memref<!tpu.dma_semaphore, #tpu.memory_space<semaphore_mem>>)
      %dma_wait3A_160 = tpu.memref_slice %arg2[%mul3A_2] : memref<16384xi32, #tpu.memory_space<hbm>> -> memref<512xi32, #tpu.memory_space<hbm>>
      %dma_wait3A_161 = tpu.memref_slice %arg2[%mul3A_2] : memref<16384xi32, #tpu.memory_space<hbm>> -> memref<512xi32, #tpu.memory_space<hbm>>
      tpu.wait_dma2 semaphore(%run_scoped3A : memref<!tpu.dma_semaphore, #tpu.memory_space<semaphore_mem>>) src(%dma_wait3A_161 : memref<512xi32, #tpu.memory_space<hbm>>) dst(%arg6 : memref<512xi32, #tpu.memory_space<vmem>>)
      tpu.yield
    }) : () -> ()
    %dma_start3A = arith.constant 0 : i32
    %dma_start3A_3 = arith.constant 0 : i32
    %dma_start3A_4 = tpu.memref_slice %arg7[%dma_start3A, %dma_start3A_3] : memref<512x128xf32, #tpu.memory_space<vmem>> -> memref<64x128xf32, #tpu.memory_space<vmem>>
    %dma_start3A_5 = arith.constant 0 : i32
    %dma_start3A_6 = tpu.memref_slice %arg6[%dma_start3A_5] : memref<512xi32, #tpu.memory_space<vmem>> -> memref<64xi32, #tpu.memory_space<vmem>>
    %dma_start3A_7 = arith.constant 0 : i32
    %dma_start3A_8 = arith.constant 0 : i32
    %dma_start3A_9 = tpu.memref_slice %arg3[%dma_start3A_7, %dma_start3A_8] : memref<1001x128xf32, #tpu.memory_space<hbm>> -> memref<1001x128xf32, #tpu.memory_space<hbm>>
    tpu.enqueue_indirect_dma source(%dma_start3A_9 : memref<1001x128xf32, #tpu.memory_space<hbm>>) target(%dma_start3A_4 : memref<64x128xf32, #tpu.memory_space<vmem>>) offsets(%dma_start3A_6 : memref<64xi32, #tpu.memory_space<vmem>>) semaphore(%arg8 : memref<!tpu.dma_semaphore, #tpu.memory_space<semaphore_mem>>)
    %eq3A = arith.constant 0 : i32
    %eq3A_10 = arith.cmpi eq, %arg1, %eq3A : i32
    %convert_element_type3A = arith.extui %eq3A_10 : i1 to i32
    %cond3A = arith.constant 0 : i32
    %cond3A_11 = arith.cmpi ne, %convert_element_type3A, %cond3A : i32
    scf.if %cond3A_11 {
      "tpu.region"() ({
        %run_scoped3A = tpu.sem_alloc : memref<!tpu.dma_semaphore, #tpu.memory_space<semaphore_mem>>
        %dma_start3A_158 = arith.constant 0 : i32
        %dma_start3A_159 = arith.constant 0 : i32
        %dma_start3A_160 = tpu.memref_slice %arg5[%dma_start3A_158, %dma_start3A_159] : memref<1001x128xf32, #tpu.memory_space<vmem_shared>> -> memref<512x128xf32, #tpu.memory_space<vmem_shared>>
        %dma_start3A_161 = arith.constant 0 : i32
        %dma_start3A_162 = arith.constant 0 : i32
        %dma_start3A_163 = tpu.memref_slice %arg3[%dma_start3A_161, %dma_start3A_162] : memref<1001x128xf32, #tpu.memory_space<hbm>> -> memref<512x128xf32, #tpu.memory_space<hbm>>
        tpu.enqueue_dma source(%dma_start3A_163 : memref<512x128xf32, #tpu.memory_space<hbm>>) target(%dma_start3A_160 : memref<512x128xf32, #tpu.memory_space<vmem_shared>>) target_semaphore(%run_scoped3A : memref<!tpu.dma_semaphore, #tpu.memory_space<semaphore_mem>>)
        %dma_wait3A_164 = arith.constant 0 : i32
        %dma_wait3A_165 = arith.constant 0 : i32
        %dma_wait3A_166 = tpu.memref_slice %arg5[%dma_wait3A_164, %dma_wait3A_165] : memref<1001x128xf32, #tpu.memory_space<vmem_shared>> -> memref<512x128xf32, #tpu.memory_space<vmem_shared>>
        %dma_wait3A_167 = arith.constant 0 : i32
        %dma_wait3A_168 = arith.constant 0 : i32
        %dma_wait3A_169 = tpu.memref_slice %arg3[%dma_wait3A_167, %dma_wait3A_168] : memref<1001x128xf32, #tpu.memory_space<hbm>> -> memref<512x128xf32, #tpu.memory_space<hbm>>
        tpu.wait_dma2 semaphore(%run_scoped3A : memref<!tpu.dma_semaphore, #tpu.memory_space<semaphore_mem>>) src(%dma_wait3A_169 : memref<512x128xf32, #tpu.memory_space<hbm>>) dst(%dma_wait3A_166 : memref<512x128xf32, #tpu.memory_space<vmem_shared>>)
        tpu.yield
      }) : () -> ()
    } else {
    }
    %eq3A_12 = arith.constant 1 : i32
    %eq3A_13 = arith.cmpi eq, %arg1, %eq3A_12 : i32
    %convert_element_type3A_14 = arith.extui %eq3A_13 : i1 to i32
    %cond3A_15 = arith.constant 0 : i32
    %cond3A_16 = arith.cmpi ne, %convert_element_type3A_14, %cond3A_15 : i32
    scf.if %cond3A_16 {
      "tpu.region"() ({
        %run_scoped3A = tpu.sem_alloc : memref<!tpu.dma_semaphore, #tpu.memory_space<semaphore_mem>>
        %dma_start3A_158 = arith.constant 512 : i32
        %dma_start3A_159 = arith.constant 0 : i32
        %dma_start3A_160 = tpu.memref_slice %arg5[%dma_start3A_158, %dma_start3A_159] : memref<1001x128xf32, #tpu.memory_space<vmem_shared>> -> memref<489x128xf32, #tpu.memory_space<vmem_shared>>
        %dma_start3A_161 = arith.constant 512 : i32
        %dma_start3A_162 = arith.constant 0 : i32
        %dma_start3A_163 = tpu.memref_slice %arg3[%dma_start3A_161, %dma_start3A_162] : memref<1001x128xf32, #tpu.memory_space<hbm>> -> memref<489x128xf32, #tpu.memory_space<hbm>>
        tpu.enqueue_dma source(%dma_start3A_163 : memref<489x128xf32, #tpu.memory_space<hbm>>) target(%dma_start3A_160 : memref<489x128xf32, #tpu.memory_space<vmem_shared>>) target_semaphore(%run_scoped3A : memref<!tpu.dma_semaphore, #tpu.memory_space<semaphore_mem>>)
        %dma_wait3A_164 = arith.constant 512 : i32
        %dma_wait3A_165 = arith.constant 0 : i32
        %dma_wait3A_166 = tpu.memref_slice %arg5[%dma_wait3A_164, %dma_wait3A_165] : memref<1001x128xf32, #tpu.memory_space<vmem_shared>> -> memref<489x128xf32, #tpu.memory_space<vmem_shared>>
        %dma_wait3A_167 = arith.constant 512 : i32
        %dma_wait3A_168 = arith.constant 0 : i32
        %dma_wait3A_169 = tpu.memref_slice %arg3[%dma_wait3A_167, %dma_wait3A_168] : memref<1001x128xf32, #tpu.memory_space<hbm>> -> memref<489x128xf32, #tpu.memory_space<hbm>>
        tpu.wait_dma2 semaphore(%run_scoped3A : memref<!tpu.dma_semaphore, #tpu.memory_space<semaphore_mem>>) src(%dma_wait3A_169 : memref<489x128xf32, #tpu.memory_space<hbm>>) dst(%dma_wait3A_166 : memref<489x128xf32, #tpu.memory_space<vmem_shared>>)
        tpu.yield
      }) : () -> ()
    } else {
    }
    %dma_wait3A = arith.constant 0 : i32
    %dma_wait3A_17 = arith.constant 0 : i32
    %dma_wait3A_18 = tpu.memref_slice %arg7[%dma_wait3A, %dma_wait3A_17] : memref<512x128xf32, #tpu.memory_space<vmem>> -> memref<64x128xf32, #tpu.memory_space<vmem>>
    %dma_wait3A_19 = arith.constant 0 : i32
    %dma_wait3A_20 = tpu.memref_slice %arg6[%dma_wait3A_19] : memref<512xi32, #tpu.memory_space<vmem>> -> memref<64xi32, #tpu.memory_space<vmem>>
    %dma_wait3A_21 = arith.constant 0 : i32
    %dma_wait3A_22 = arith.constant 0 : i32
    %dma_wait3A_23 = tpu.memref_slice %arg3[%dma_wait3A_21, %dma_wait3A_22] : memref<1001x128xf32, #tpu.memory_space<hbm>> -> memref<1001x128xf32, #tpu.memory_space<hbm>>
    tpu.wait_indirect_dma semaphore(%arg8 : memref<!tpu.dma_semaphore, #tpu.memory_space<semaphore_mem>>) src(%dma_wait3A_23 : memref<1001x128xf32, #tpu.memory_space<hbm>>) dst(%dma_wait3A_18 : memref<64x128xf32, #tpu.memory_space<vmem>>)
    %dma_start3A_24 = arith.constant 0 : i32
    %dma_start3A_25 = arith.constant 0 : i32
    %dma_start3A_26 = tpu.memref_slice %arg7[%dma_start3A_24, %dma_start3A_25] : memref<512x128xf32, #tpu.memory_space<vmem>> -> memref<64x128xf32, #tpu.memory_space<vmem>>
    %dma_start3A_27 = arith.constant 0 : i32
    %dma_start3A_28 = tpu.memref_slice %arg4[%mul3A_2, %dma_start3A_27] : memref<16384x128xf32, #tpu.memory_space<hbm>> -> memref<64x128xf32, #tpu.memory_space<hbm>>
    %dma_start3A_29 = arith.constant 0 : i32
    %dma_start3A_30 = tpu.memref_slice %arg4[%mul3A_2, %dma_start3A_29] : memref<16384x128xf32, #tpu.memory_space<hbm>> -> memref<64x128xf32, #tpu.memory_space<hbm>>
    %dma_start3A_31 = arith.constant 0 : i32
    %dma_start3A_32 = arith.constant 0 : i32
    %dma_start3A_33 = tpu.memref_slice %arg7[%dma_start3A_31, %dma_start3A_32] : memref<512x128xf32, #tpu.memory_space<vmem>> -> memref<64x128xf32, #tpu.memory_space<vmem>>
    tpu.enqueue_dma source(%dma_start3A_33 : memref<64x128xf32, #tpu.memory_space<vmem>>) target(%dma_start3A_30 : memref<64x128xf32, #tpu.memory_space<hbm>>) target_semaphore(%arg12 : memref<!tpu.dma_semaphore, #tpu.memory_space<semaphore_mem>>)
    %barrier3A = arith.constant 0 : index
    tpu.barrier barrier_id(%barrier3A)
    %dma_start3A_34 = arith.constant 64 : i32
    %dma_start3A_35 = arith.constant 0 : i32
    %dma_start3A_36 = tpu.memref_slice %arg7[%dma_start3A_34, %dma_start3A_35] : memref<512x128xf32, #tpu.memory_space<vmem>> -> memref<128x128xf32, #tpu.memory_space<vmem>>
    %dma_start3A_37 = arith.constant 64 : i32
    %dma_start3A_38 = tpu.memref_slice %arg6[%dma_start3A_37] : memref<512xi32, #tpu.memory_space<vmem>> -> memref<128xi32, #tpu.memory_space<vmem>>
    %dma_start3A_39 = arith.constant 0 : i32
    %dma_start3A_40 = arith.constant 0 : i32
    %dma_start3A_41 = tpu.memref_slice %arg5[%dma_start3A_39, %dma_start3A_40] : memref<1001x128xf32, #tpu.memory_space<vmem_shared>> -> memref<1001x128xf32, #tpu.memory_space<vmem_shared>>
    tpu.enqueue_indirect_dma source(%dma_start3A_41 : memref<1001x128xf32, #tpu.memory_space<vmem_shared>>) target(%dma_start3A_36 : memref<128x128xf32, #tpu.memory_space<vmem>>) offsets(%dma_start3A_38 : memref<128xi32, #tpu.memory_space<vmem>>) semaphore(%arg9 : memref<!tpu.dma_semaphore, #tpu.memory_space<semaphore_mem>>)
    %dma_start3A_42 = arith.constant 192 : i32
    %dma_start3A_43 = arith.constant 0 : i32
    %dma_start3A_44 = tpu.memref_slice %arg7[%dma_start3A_42, %dma_start3A_43] : memref<512x128xf32, #tpu.memory_space<vmem>> -> memref<128x128xf32, #tpu.memory_space<vmem>>
    %dma_start3A_45 = arith.constant 192 : i32
    %dma_start3A_46 = tpu.memref_slice %arg6[%dma_start3A_45] : memref<512xi32, #tpu.memory_space<vmem>> -> memref<128xi32, #tpu.memory_space<vmem>>
    %dma_start3A_47 = arith.constant 0 : i32
    %dma_start3A_48 = arith.constant 0 : i32
    %dma_start3A_49 = tpu.memref_slice %arg5[%dma_start3A_47, %dma_start3A_48] : memref<1001x128xf32, #tpu.memory_space<vmem_shared>> -> memref<1001x128xf32, #tpu.memory_space<vmem_shared>>
    tpu.enqueue_indirect_dma source(%dma_start3A_49 : memref<1001x128xf32, #tpu.memory_space<vmem_shared>>) target(%dma_start3A_44 : memref<128x128xf32, #tpu.memory_space<vmem>>) offsets(%dma_start3A_46 : memref<128xi32, #tpu.memory_space<vmem>>) semaphore(%arg10 : memref<!tpu.dma_semaphore, #tpu.memory_space<semaphore_mem>>)
    %dma_start3A_50 = arith.constant 320 : i32
    %dma_start3A_51 = arith.constant 0 : i32
    %dma_start3A_52 = tpu.memref_slice %arg7[%dma_start3A_50, %dma_start3A_51] : memref<512x128xf32, #tpu.memory_space<vmem>> -> memref<192x128xf32, #tpu.memory_space<vmem>>
    %dma_start3A_53 = arith.constant 320 : i32
    %dma_start3A_54 = tpu.memref_slice %arg6[%dma_start3A_53] : memref<512xi32, #tpu.memory_space<vmem>> -> memref<192xi32, #tpu.memory_space<vmem>>
    %dma_start3A_55 = arith.constant 0 : i32
    %dma_start3A_56 = arith.constant 0 : i32
    %dma_start3A_57 = tpu.memref_slice %arg5[%dma_start3A_55, %dma_start3A_56] : memref<1001x128xf32, #tpu.memory_space<vmem_shared>> -> memref<1001x128xf32, #tpu.memory_space<vmem_shared>>
    tpu.enqueue_indirect_dma source(%dma_start3A_57 : memref<1001x128xf32, #tpu.memory_space<vmem_shared>>) target(%dma_start3A_52 : memref<192x128xf32, #tpu.memory_space<vmem>>) offsets(%dma_start3A_54 : memref<192xi32, #tpu.memory_space<vmem>>) semaphore(%arg11 : memref<!tpu.dma_semaphore, #tpu.memory_space<semaphore_mem>>)
    %dma_wait3A_58 = arith.constant 64 : i32
    %dma_wait3A_59 = arith.constant 0 : i32
    %dma_wait3A_60 = tpu.memref_slice %arg7[%dma_wait3A_58, %dma_wait3A_59] : memref<512x128xf32, #tpu.memory_space<vmem>> -> memref<128x128xf32, #tpu.memory_space<vmem>>
    %dma_wait3A_61 = arith.constant 64 : i32
    %dma_wait3A_62 = tpu.memref_slice %arg6[%dma_wait3A_61] : memref<512xi32, #tpu.memory_space<vmem>> -> memref<128xi32, #tpu.memory_space<vmem>>
    %dma_wait3A_63 = arith.constant 0 : i32
    %dma_wait3A_64 = arith.constant 0 : i32
    %dma_wait3A_65 = tpu.memref_slice %arg5[%dma_wait3A_63, %dma_wait3A_64] : memref<1001x128xf32, #tpu.memory_space<vmem_shared>> -> memref<1001x128xf32, #tpu.memory_space<vmem_shared>>
    tpu.wait_indirect_dma semaphore(%arg9 : memref<!tpu.dma_semaphore, #tpu.memory_space<semaphore_mem>>) src(%dma_wait3A_65 : memref<1001x128xf32, #tpu.memory_space<vmem_shared>>) dst(%dma_wait3A_60 : memref<128x128xf32, #tpu.memory_space<vmem>>)
    %add3A_66 = arith.constant 64 : i32
    %add3A_67 = arith.addi %mul3A_2, %add3A_66 : i32
    %dma_start3A_68 = arith.constant 64 : i32
    %dma_start3A_69 = arith.constant 0 : i32
    %dma_start3A_70 = tpu.memref_slice %arg7[%dma_start3A_68, %dma_start3A_69] : memref<512x128xf32, #tpu.memory_space<vmem>> -> memref<128x128xf32, #tpu.memory_space<vmem>>
    %dma_start3A_71 = arith.constant 0 : i32
    %dma_start3A_72 = tpu.memref_slice %arg4[%add3A_67, %dma_start3A_71] : memref<16384x128xf32, #tpu.memory_space<hbm>> -> memref<128x128xf32, #tpu.memory_space<hbm>>
    %dma_start3A_73 = arith.constant 0 : i32
    %dma_start3A_74 = tpu.memref_slice %arg4[%add3A_67, %dma_start3A_73] : memref<16384x128xf32, #tpu.memory_space<hbm>> -> memref<128x128xf32, #tpu.memory_space<hbm>>
    %dma_start3A_75 = arith.constant 64 : i32
    %dma_start3A_76 = arith.constant 0 : i32
    %dma_start3A_77 = tpu.memref_slice %arg7[%dma_start3A_75, %dma_start3A_76] : memref<512x128xf32, #tpu.memory_space<vmem>> -> memref<128x128xf32, #tpu.memory_space<vmem>>
    tpu.enqueue_dma source(%dma_start3A_77 : memref<128x128xf32, #tpu.memory_space<vmem>>) target(%dma_start3A_74 : memref<128x128xf32, #tpu.memory_space<hbm>>) target_semaphore(%arg12 : memref<!tpu.dma_semaphore, #tpu.memory_space<semaphore_mem>>)
    %dma_wait3A_78 = arith.constant 192 : i32
    %dma_wait3A_79 = arith.constant 0 : i32
    %dma_wait3A_80 = tpu.memref_slice %arg7[%dma_wait3A_78, %dma_wait3A_79] : memref<512x128xf32, #tpu.memory_space<vmem>> -> memref<128x128xf32, #tpu.memory_space<vmem>>
    %dma_wait3A_81 = arith.constant 192 : i32
    %dma_wait3A_82 = tpu.memref_slice %arg6[%dma_wait3A_81] : memref<512xi32, #tpu.memory_space<vmem>> -> memref<128xi32, #tpu.memory_space<vmem>>
    %dma_wait3A_83 = arith.constant 0 : i32
    %dma_wait3A_84 = arith.constant 0 : i32
    %dma_wait3A_85 = tpu.memref_slice %arg5[%dma_wait3A_83, %dma_wait3A_84] : memref<1001x128xf32, #tpu.memory_space<vmem_shared>> -> memref<1001x128xf32, #tpu.memory_space<vmem_shared>>
    tpu.wait_indirect_dma semaphore(%arg10 : memref<!tpu.dma_semaphore, #tpu.memory_space<semaphore_mem>>) src(%dma_wait3A_85 : memref<1001x128xf32, #tpu.memory_space<vmem_shared>>) dst(%dma_wait3A_80 : memref<128x128xf32, #tpu.memory_space<vmem>>)
    %add3A_86 = arith.constant 192 : i32
    %add3A_87 = arith.addi %mul3A_2, %add3A_86 : i32
    %dma_start3A_88 = arith.constant 192 : i32
    %dma_start3A_89 = arith.constant 0 : i32
    %dma_start3A_90 = tpu.memref_slice %arg7[%dma_start3A_88, %dma_start3A_89] : memref<512x128xf32, #tpu.memory_space<vmem>> -> memref<128x128xf32, #tpu.memory_space<vmem>>
    %dma_start3A_91 = arith.constant 0 : i32
    %dma_start3A_92 = tpu.memref_slice %arg4[%add3A_87, %dma_start3A_91] : memref<16384x128xf32, #tpu.memory_space<hbm>> -> memref<128x128xf32, #tpu.memory_space<hbm>>
    %dma_start3A_93 = arith.constant 0 : i32
    %dma_start3A_94 = tpu.memref_slice %arg4[%add3A_87, %dma_start3A_93] : memref<16384x128xf32, #tpu.memory_space<hbm>> -> memref<128x128xf32, #tpu.memory_space<hbm>>
    %dma_start3A_95 = arith.constant 192 : i32
    %dma_start3A_96 = arith.constant 0 : i32
    %dma_start3A_97 = tpu.memref_slice %arg7[%dma_start3A_95, %dma_start3A_96] : memref<512x128xf32, #tpu.memory_space<vmem>> -> memref<128x128xf32, #tpu.memory_space<vmem>>
    tpu.enqueue_dma source(%dma_start3A_97 : memref<128x128xf32, #tpu.memory_space<vmem>>) target(%dma_start3A_94 : memref<128x128xf32, #tpu.memory_space<hbm>>) target_semaphore(%arg12 : memref<!tpu.dma_semaphore, #tpu.memory_space<semaphore_mem>>)
    %dma_wait3A_98 = arith.constant 320 : i32
    %dma_wait3A_99 = arith.constant 0 : i32
    %dma_wait3A_100 = tpu.memref_slice %arg7[%dma_wait3A_98, %dma_wait3A_99] : memref<512x128xf32, #tpu.memory_space<vmem>> -> memref<192x128xf32, #tpu.memory_space<vmem>>
    %dma_wait3A_101 = arith.constant 320 : i32
    %dma_wait3A_102 = tpu.memref_slice %arg6[%dma_wait3A_101] : memref<512xi32, #tpu.memory_space<vmem>> -> memref<192xi32, #tpu.memory_space<vmem>>
    %dma_wait3A_103 = arith.constant 0 : i32
    %dma_wait3A_104 = arith.constant 0 : i32
    %dma_wait3A_105 = tpu.memref_slice %arg5[%dma_wait3A_103, %dma_wait3A_104] : memref<1001x128xf32, #tpu.memory_space<vmem_shared>> -> memref<1001x128xf32, #tpu.memory_space<vmem_shared>>
    tpu.wait_indirect_dma semaphore(%arg11 : memref<!tpu.dma_semaphore, #tpu.memory_space<semaphore_mem>>) src(%dma_wait3A_105 : memref<1001x128xf32, #tpu.memory_space<vmem_shared>>) dst(%dma_wait3A_100 : memref<192x128xf32, #tpu.memory_space<vmem>>)
    %add3A_106 = arith.constant 320 : i32
    %add3A_107 = arith.addi %mul3A_2, %add3A_106 : i32
    %dma_start3A_108 = arith.constant 320 : i32
    %dma_start3A_109 = arith.constant 0 : i32
    %dma_start3A_110 = tpu.memref_slice %arg7[%dma_start3A_108, %dma_start3A_109] : memref<512x128xf32, #tpu.memory_space<vmem>> -> memref<192x128xf32, #tpu.memory_space<vmem>>
    %dma_start3A_111 = arith.constant 0 : i32
    %dma_start3A_112 = tpu.memref_slice %arg4[%add3A_107, %dma_start3A_111] : memref<16384x128xf32, #tpu.memory_space<hbm>> -> memref<192x128xf32, #tpu.memory_space<hbm>>
    %dma_start3A_113 = arith.constant 0 : i32
    %dma_start3A_114 = tpu.memref_slice %arg4[%add3A_107, %dma_start3A_113] : memref<16384x128xf32, #tpu.memory_space<hbm>> -> memref<192x128xf32, #tpu.memory_space<hbm>>
    %dma_start3A_115 = arith.constant 320 : i32
    %dma_start3A_116 = arith.constant 0 : i32
    %dma_start3A_117 = tpu.memref_slice %arg7[%dma_start3A_115, %dma_start3A_116] : memref<512x128xf32, #tpu.memory_space<vmem>> -> memref<192x128xf32, #tpu.memory_space<vmem>>
    tpu.enqueue_dma source(%dma_start3A_117 : memref<192x128xf32, #tpu.memory_space<vmem>>) target(%dma_start3A_114 : memref<192x128xf32, #tpu.memory_space<hbm>>) target_semaphore(%arg12 : memref<!tpu.dma_semaphore, #tpu.memory_space<semaphore_mem>>)
    %dma_wait3A_118 = arith.constant 0 : i32
    %dma_wait3A_119 = arith.constant 0 : i32
    %dma_wait3A_120 = tpu.memref_slice %arg7[%dma_wait3A_118, %dma_wait3A_119] : memref<512x128xf32, #tpu.memory_space<vmem>> -> memref<64x128xf32, #tpu.memory_space<vmem>>
    %dma_wait3A_121 = arith.constant 0 : i32
    %dma_wait3A_122 = tpu.memref_slice %arg4[%mul3A_2, %dma_wait3A_121] : memref<16384x128xf32, #tpu.memory_space<hbm>> -> memref<64x128xf32, #tpu.memory_space<hbm>>
    %dma_wait3A_123 = arith.constant 0 : i32
    %dma_wait3A_124 = tpu.memref_slice %arg4[%mul3A_2, %dma_wait3A_123] : memref<16384x128xf32, #tpu.memory_space<hbm>> -> memref<64x128xf32, #tpu.memory_space<hbm>>
    %dma_wait3A_125 = arith.constant 0 : i32
    %dma_wait3A_126 = arith.constant 0 : i32
    %dma_wait3A_127 = tpu.memref_slice %arg7[%dma_wait3A_125, %dma_wait3A_126] : memref<512x128xf32, #tpu.memory_space<vmem>> -> memref<64x128xf32, #tpu.memory_space<vmem>>
    tpu.wait_dma2 semaphore(%arg12 : memref<!tpu.dma_semaphore, #tpu.memory_space<semaphore_mem>>) src(%dma_wait3A_127 : memref<64x128xf32, #tpu.memory_space<vmem>>) dst(%dma_wait3A_124 : memref<64x128xf32, #tpu.memory_space<hbm>>)
    %dma_wait3A_128 = arith.constant 64 : i32
    %dma_wait3A_129 = arith.constant 0 : i32
    %dma_wait3A_130 = tpu.memref_slice %arg7[%dma_wait3A_128, %dma_wait3A_129] : memref<512x128xf32, #tpu.memory_space<vmem>> -> memref<128x128xf32, #tpu.memory_space<vmem>>
    %dma_wait3A_131 = arith.constant 0 : i32
    %dma_wait3A_132 = tpu.memref_slice %arg4[%add3A_67, %dma_wait3A_131] : memref<16384x128xf32, #tpu.memory_space<hbm>> -> memref<128x128xf32, #tpu.memory_space<hbm>>
    %dma_wait3A_133 = arith.constant 0 : i32
    %dma_wait3A_134 = tpu.memref_slice %arg4[%add3A_67, %dma_wait3A_133] : memref<16384x128xf32, #tpu.memory_space<hbm>> -> memref<128x128xf32, #tpu.memory_space<hbm>>
    %dma_wait3A_135 = arith.constant 64 : i32
    %dma_wait3A_136 = arith.constant 0 : i32
    %dma_wait3A_137 = tpu.memref_slice %arg7[%dma_wait3A_135, %dma_wait3A_136] : memref<512x128xf32, #tpu.memory_space<vmem>> -> memref<128x128xf32, #tpu.memory_space<vmem>>
    tpu.wait_dma2 semaphore(%arg12 : memref<!tpu.dma_semaphore, #tpu.memory_space<semaphore_mem>>) src(%dma_wait3A_137 : memref<128x128xf32, #tpu.memory_space<vmem>>) dst(%dma_wait3A_134 : memref<128x128xf32, #tpu.memory_space<hbm>>)
    %dma_wait3A_138 = arith.constant 192 : i32
    %dma_wait3A_139 = arith.constant 0 : i32
    %dma_wait3A_140 = tpu.memref_slice %arg7[%dma_wait3A_138, %dma_wait3A_139] : memref<512x128xf32, #tpu.memory_space<vmem>> -> memref<128x128xf32, #tpu.memory_space<vmem>>
    %dma_wait3A_141 = arith.constant 0 : i32
    %dma_wait3A_142 = tpu.memref_slice %arg4[%add3A_87, %dma_wait3A_141] : memref<16384x128xf32, #tpu.memory_space<hbm>> -> memref<128x128xf32, #tpu.memory_space<hbm>>
    %dma_wait3A_143 = arith.constant 0 : i32
    %dma_wait3A_144 = tpu.memref_slice %arg4[%add3A_87, %dma_wait3A_143] : memref<16384x128xf32, #tpu.memory_space<hbm>> -> memref<128x128xf32, #tpu.memory_space<hbm>>
    %dma_wait3A_145 = arith.constant 192 : i32
    %dma_wait3A_146 = arith.constant 0 : i32
    %dma_wait3A_147 = tpu.memref_slice %arg7[%dma_wait3A_145, %dma_wait3A_146] : memref<512x128xf32, #tpu.memory_space<vmem>> -> memref<128x128xf32, #tpu.memory_space<vmem>>
    tpu.wait_dma2 semaphore(%arg12 : memref<!tpu.dma_semaphore, #tpu.memory_space<semaphore_mem>>) src(%dma_wait3A_147 : memref<128x128xf32, #tpu.memory_space<vmem>>) dst(%dma_wait3A_144 : memref<128x128xf32, #tpu.memory_space<hbm>>)
    %dma_wait3A_148 = arith.constant 320 : i32
    %dma_wait3A_149 = arith.constant 0 : i32
    %dma_wait3A_150 = tpu.memref_slice %arg7[%dma_wait3A_148, %dma_wait3A_149] : memref<512x128xf32, #tpu.memory_space<vmem>> -> memref<192x128xf32, #tpu.memory_space<vmem>>
    %dma_wait3A_151 = arith.constant 0 : i32
    %dma_wait3A_152 = tpu.memref_slice %arg4[%add3A_107, %dma_wait3A_151] : memref<16384x128xf32, #tpu.memory_space<hbm>> -> memref<192x128xf32, #tpu.memory_space<hbm>>
    %dma_wait3A_153 = arith.constant 0 : i32
    %dma_wait3A_154 = tpu.memref_slice %arg4[%add3A_107, %dma_wait3A_153] : memref<16384x128xf32, #tpu.memory_space<hbm>> -> memref<192x128xf32, #tpu.memory_space<hbm>>
    %dma_wait3A_155 = arith.constant 320 : i32
    %dma_wait3A_156 = arith.constant 0 : i32
    %dma_wait3A_157 = tpu.memref_slice %arg7[%dma_wait3A_155, %dma_wait3A_156] : memref<512x128xf32, #tpu.memory_space<vmem>> -> memref<192x128xf32, #tpu.memory_space<vmem>>
    tpu.wait_dma2 semaphore(%arg12 : memref<!tpu.dma_semaphore, #tpu.memory_space<semaphore_mem>>) src(%dma_wait3A_157 : memref<192x128xf32, #tpu.memory_space<vmem>>) dst(%dma_wait3A_154 : memref<192x128xf32, #tpu.memory_space<hbm>>)
    return
  }
}

</mosaic_0001>

<sc_bundles>
// kernel: kernel.3.cloned.1.call-start
scs
__scs_entry_jumppad:
0x0: {  	(pc) =	sbr.rel $0x88, $3  }
0x1: {  	(tag) =	ssettag $0x0;
	lr =	simm.s32 $0x1  }
0x2: {  	[smem:$0x3F9F] =	sst lr;
	_ =	strace $0xD0000000  }
0x3: {  	_ = 	snop  }
0x4: {  	_ = 	snop  }
0x5: {  	_ = 	snop  }
0x6: {  	_ = 	snop  }
0x7: {  	_ = 	snop  }
__scs_overlays_trampoline_lowered:
0x8: {  	[smem:$0x3FAE] =	sst s0  }
0x9: {  	[smem:$0x3FAF] =	sst s1  }
0xa: {  	[smem:$0x3FB0] =	sst s2  }
0xb: {  	[smem:$0x3FB1] =	sst s3  }
0xc: {  	[smem:$0x3FB2] =	sst s4  }
0xd: {  	[smem:$0x3FB3] =	sst s5  }
0xe: {  	[smem:$0x3FB4] =	sst s6  }
0xf: {  	[smem:$0x3FB5] =	sst s7  }
0x10: {  	[smem:$0x3FB6] =	sst s8  }
0x11: {  	[smem:$0x3FB7] =	sst s9;
	s0 =	simm.s32 @!p0 $0x0  }
0x12: {  	s1 =	sld [smem:$0x3F9D];
	s0 =	simm.s32 @p0 $0x1  }
0x13: {  	[smem:$0x3FB8] =	sst s0;
	s0 =	simm.s32 @!p1 $0x0  }
0x14: {  	s2 =	sld [smem:$0x3F9C];
	s0 =	simm.s32 @p1 $0x1  }
0x15: {  	[smem:$0x3FB9] =	sst s0;
	s0 =	simm.s32 @!p2 $0x0  }
0x16: {  	s3 =	sld [smem:$0x3FDB];
	s0 =	simm.s32 @p2 $0x1  }
0x17: {  	s4 =	simm.s32 $0x1BF5;
	[smem:$0x3FBB] =	sst s0  }
0x18: {  	s0 =	sld [smem:$0x3F9E];
	_ =	swait.ge [sflag:s4], $0x0  }
0x19: {  	s7 =	sld [smem:$0x3F9F]  }
0x1a: {  	s8 =	sadd.s32 $0xFFFFE003, lr  }
0x1b: {  	s9 =	sadd.s32 $0xFFFFFEF7, lr;
	s5 =	simm.s32 $0xFFFFFFFF;
	p2 =	slt.u32 s8, $0xFFFFF086  }
0x1c: {  	p1 =	slt.u32 s9, $0xF7A;
	s5 =	simm.s32 @!p2 $0x0  }
0x1d: {  	s5 =	simm.s32 @p1 $0x1;
	p0 =	seq.s32 s7, s2  }
0x1e: {  	s7 =	smul.u32 @!p0 $0xF7A, s2;
	p2 =	seq.s32 @!p0 s5, $0x0  }
0x1f: {  	s9 =	smul.u32 $0xF7A, s1;
	s8 =	simm.s32 @!p0 $0x1BF5;
	p2 =	por !p2, p0  }
0x20: {  	[sflag:s8] =	ssyncset.s32 @!p0 $0xFFFFF086;
	s6 =	sadd.s32 @!p0 s3, s7;
	s7 =	simm.s32 @!p0 $0x108  }
0x21: {  	s3 =	sadd.s32 s3, s9;
	s6 =	sadd.s32 @!p0 $0x88, s6;
	s7 =	simm.s32 @p2 $0x1082  }
0x22: {  	[simem:s7], [sflag:s8] =	dma.local @!p0 [hbm:s6], $0xF7A  }
0x23: {  	s9 =	sor.u32 $0xD0000000, s2;
	s6 =	simm.s32 $0x108;
	_ =	swait.ge @!p0 [sflag:s8], $0x0  }
0x24: {  	s3 =	sadd.s32 $0x88, s3;
	s6 =	simm.s32 @!p1 $0x1082;
	[sflag:s4] =	ssyncset.s32 $0xFFFFF086  }
0x25: {  	[simem:s6], [sflag:s4] =	dma.local [hbm:s3], $0xF7A  }
0x26: {  	[smem:$0x3F9F] =	sst s1;
	(tag) =	ssettag s2;
	_ =	strace s9  }
0x27: {  	s1 =	sld [smem:$0x3FAF]  }
0x28: {  	s2 =	sld [smem:$0x3FB0]  }
0x29: {  	s4 =	sld [smem:$0x3FB2]  }
0x2a: {  	p0 =	seq.s32 s5, $0x0;
	s5 =	sld [smem:$0x3FB3]  }
0x2b: {  	s6 =	sld [smem:$0x3FB4]  }
0x2c: {  	s7 =	sld [smem:$0x3FB5]  }
0x2d: {  	s3 =	simm.s32 $0x108;
	s8 =	sld [smem:$0x3FB6]  }
0x2e: {  	s3 =	simm.s32 @!p0 $0x1082;
	s9 =	sld [smem:$0x3FB7]  }
0x2f: {  	lr =	sadd.s32 s0, s3;
	s0 =	sld [smem:$0x3FAE]  }
0x30: {  	s3 =	sld [smem:$0x3FB1]  }
0x31: {  	[smem:$0x3FBA] =	sst s10  }
0x32: {  	s10 =	sld [smem:$0x3FB8];
	_ =	sdelay $0x3  }
0x33: {  	p0 =	seq.s32 s10, $0x1;
	s10 =	sld [smem:$0x3FBA];
	_ =	sdelay $0x3  }
0x34: {  	[smem:$0x3FBA] =	sst s10  }
0x35: {  	s10 =	sld [smem:$0x3FB9];
	_ =	sdelay $0x3  }
0x36: {  	p1 =	seq.s32 s10, $0x1;
	s10 =	sld [smem:$0x3FBA];
	_ =	sdelay $0x3  }
0x37: {  	[smem:$0x3FBA] =	sst s10  }
0x38: {  	s10 =	sld [smem:$0x3FBB]  }
0x39: {  	_ = 	snop;
	(pc) =	sbr.ind lr, $3  }
0x3a: {  	_ = 	snop  }
0x3b: {  	_ = 	snop  }
0x3c: {  	p2 =	seq.s32 s10, $0x1;
	s10 =	sld [smem:$0x3FBA]  }
0x3d: {  	_ =	shalt  }
0x3e: {  	_ =	shalt  }
0x3f: {  	_ =	shalt  }
0x40: {  	_ =	shalt  }
0x41: {  	_ =	shalt  }
0x42: {  	_ =	shalt  }
0x43: {  	_ =	shalt  }
0x44: {  	_ =	shalt  }
0x45: {  	_ =	shalt  }
0x46: {  	_ =	shalt  }
0x47: {  	_ =	shalt  }
0x48: {  	_ =	shalt  }
0x49: {  	_ =	shalt  }
0x4a: {  	_ =	shalt  }
0x4b: {  	_ =	shalt  }
0x4c: {  	_ =	shalt  }
0x4d: {  	_ =	shalt  }
0x4e: {  	_ =	shalt  }
0x4f: {  	_ =	shalt  }
0x50: {  	_ =	shalt  }
0x51: {  	_ =	shalt  }
0x52: {  	_ =	shalt  }
0x53: {  	_ =	shalt  }
0x54: {  	_ =	shalt  }
0x55: {  	_ =	shalt  }
0x56: {  	_ =	shalt  }
0x57: {  	_ =	shalt  }
0x58: {  	_ =	shalt  }
0x59: {  	_ =	shalt  }
0x5a: {  	_ =	shalt  }
0x5b: {  	_ =	shalt  }
0x5c: {  	_ =	shalt  }
0x5d: {  	_ =	shalt  }
0x5e: {  	_ =	shalt  }
0x5f: {  	_ =	shalt  }
0x60: {  	_ =	shalt  }
0x61: {  	_ =	shalt  }
0x62: {  	_ =	shalt  }
0x63: {  	_ =	shalt  }
0x64: {  	_ =	shalt  }
0x65: {  	_ =	shalt  }
0x66: {  	_ =	shalt  }
0x67: {  	_ =	shalt  }
0x68: {  	_ =	shalt  }
0x69: {  	_ =	shalt  }
0x6a: {  	_ =	shalt  }
0x6b: {  	_ =	shalt  }
0x6c: {  	_ =	shalt  }
0x6d: {  	_ =	shalt  }
0x6e: {  	_ =	shalt  }
0x6f: {  	_ =	shalt  }
0x70: {  	_ =	shalt  }
0x71: {  	_ =	shalt  }
0x72: {  	_ =	shalt  }
0x73: {  	_ =	shalt  }
0x74: {  	_ =	shalt  }
0x75: {  	_ =	shalt  }
0x76: {  	_ =	shalt  }
0x77: {  	_ =	shalt  }
0x78: {  	_ =	shalt  }
0x79: {  	_ =	shalt  }
0x7a: {  	_ =	shalt  }
0x7b: {  	_ =	shalt  }
0x7c: {  	_ =	shalt  }
0x7d: {  	_ =	shalt  }
0x7e: {  	_ =	shalt  }
0x7f: {  	_ =	shalt  }
0x80: {  	_ =	shalt  }
0x81: {  	_ =	shalt  }
0x82: {  	_ =	shalt  }
0x83: {  	_ =	shalt  }
0x84: {  	_ =	shalt  }
0x85: {  	_ =	shalt  }
0x86: {  	_ =	shalt  }
0x87: {  	_ =	shalt  }
.Lfunc_end0:
.L_simem_size_0:
called_computation_lowered:
.L_overlay_start_0:
0x88: {  	s2 =	sld [smem:$0x3FD9]  }
0x89: {  	s3 =	sld [smem:$0x3FFE];
	_ =	sdelay $0x1  }
0x8a: {  	s1 =	srdreg.scid  }
0x8b: {  	s0 =	sand.u32 $0x1, s1  }
0x8c: {  	s18 =	sshll.u32 s0, $0xA;
	s2 =	sadd.s32 s3, s2  }
0x8d: {  	s2 =	sadd.s32 s2, s18  }
0x8e: {  	[smem:$0x3FC6] =	sst s2  }
0x8f: {  	_ = 	snop  }
0x90: {  	s2 =	sld [smem:$0x3FC9]  }
0x91: {  	s19 =	sld [smem:$0x3FC8]  }
0x92: {  	s4 =	sld [smem:$0x3FD0];
	(tm) =	ssettm $0x1  }
0x93: {  	s5 =	sld [smem:$0x3FFB];
	_ =	sdelay $0x3  }
0x94: {  	_ =	strace s5  }
0x95: {  	s5 =	sld [smem:$0x3FFC];
	_ =	sdelay $0x3  }
0x96: {  	_ =	strace s5  }
0x97: {  	s5 =	sld [smem:$0x3FFD];
	_ =	sdelay $0x3  }
0x98: {  	_ =	strace s5  }
0x99: {  	_ =	strace $0x8FFFFFFF  }
0x9a: {  	s20 =	sld [smem:$0x3FDB];
	_ =	sdelay $0x1  }
0x9b: {  	s6 =	simm.s32 $_scs_section_size  }
0x9c: {  	s7 =	simm.s32 $_size__tile_overlayer_lowered;
	s8 =	simm.s32 $_tile_overlayer_lowered  }
0x9d: {  	s23 =	simm.s32 $0x1BFF;
	s22 =	sshll.u32 s8, $0x1;
	s5 =	sadd.s32 s6, s20  }
0x9e: {  	s9 =	simm.s32 $0x0;
	s21 =	sshll.u32 s7, $0x1;
	s7 =	sadd.s32 s22, s5  }
0x9f: {  	[timem:s9], [sflag:s23] =	dma.local [hbm:s7], s21  }
0xa0: {  	_ =	swait.ge [sflag:s23], s21  }
0xa1: {  	s6 =	ssub.s32 $0x0, s21;
	[sflag:s23] =	ssyncset.done $0x0  }
0xa2: {  	[sflag:s23] =	ssyncadd.s32 s6;
	_ =	sdelay $0x1  }
0xa3: {  	s24 =	simm.s32 $0x1B8B  }
0xa4: {  	_ =	swait.ge [sflag:s24], $0x1  }
0xa5: {  	[sflag:s24] =	ssyncset.done $0x0  }
0xa6: {  	s25 =	simm.s32 $0x1B8E;
	[sflag:s24] =	ssyncadd.s32 $0xFFFFFFFF  }
0xa7: {  	s26 =	simm.s32 $execute0_lowered;
	[smem:$0x3FD2] =	sst s25  }
0xa8: {  	s6 =	sshll.u32 s26, $0x1;
	_ =	strace $0x80000046;
	[dreg:$0x1] =	wrdreg $0xFFFFFFFF  }
0xa9: {  	s28 =	simm.s32 $_size_execute0_lowered;
	s5 =	sadd.s32 s5, s6;
	[dreg:$0x0] =	wrdreg $0x0  }
0xaa: {  	s6 =	sshll.u32 s28, $0x1;
	[dreg:$0x2] =	wrdreg s5  }
0xab: {  	[dreg:$0x3] =	wrdreg s6  }
0xac: {  	[dreg:$0x4] =	wrdreg $0xC0  }
0xad: {  	_ =	task [dreg:s9], $0x5FFFF  }
0xae: {  	[dreg:$0x1] =	wrdreg $0xFFFFFFFF  }
0xaf: {  	[dreg:$0x0] =	wrdreg $0x60  }
0xb0: {  	[dreg:$0x2] =	wrdreg s2  }
0xb1: {  	[dreg:$0x3] =	wrdreg s19  }
0xb2: {  	[dreg:$0x4] =	wrdreg s4  }
0xb3: {  	[dreg:$0x5] =	wrdreg $0x0  }
0xb4: {  	[dreg:$0x6] =	wrdreg $0x9  }
0xb5: {  	_ =	task.clear_ibuf [dreg:s9], $0x7FFFF;
	_ =	strace $0x90000046  }
0xb6: {  	s29 =	simm.s32 $0x9;
	_ =	strace $0x80000048  }
0xb7: {  	_ =	swait.ge [sflag:s29], $0x1  }
0xb8: {  	[sflag:s29] =	ssyncadd.s32 $0xFFFFFFFF  }
0xb9: {  	_ =	strace $0x90000048  }
0xba: {  	_ =	sfence  }
0xbb: {  	s30 =	sld [smem:$0x0];
	_ =	sdelay $0x2  }
0xbc: {  	s31 =	sshll.u32 s1, $0xD;
	s1 =	sshrl.u32 s1, $0x2  }
0xbd: {  	s3 =	sand.u32 $0x4000, s31;
	s1 =	sadd.s32 s1, s30  }
0xbe: {  	s0 =	sor.u32 s3, s0;
	s1 =	sshll.u32 s1, $0x11  }
0xbf: {  	s0 =	sor.u32 s1, s0  }
0xc0: {  	s0 =	sadd.s32 $0x8F2B, s0  }
0xc1: {  	[sflag:s0] =	ssyncadd.remote.s32 $0x1  }
0xc2: {  	_ =	sfence.sel $0xFFFF  }
0xc3: {  	[dreg:$0x0] =	wrdreg $0xFFFFFFFF;
	(pc) =	sbr.abs _section_cstart, $3  }
0xc4: {  	[dreg:$0x1] =	wrdreg $0xFFFFFFFF  }
0xc5: {  	_ =	task.clear_ibuf [dreg:s9], $0x2FFFF;
	_ =	strace $0x9FFFFFFF  }
0xc6: {  	(tm) =	ssettm $0x7FFFFFFF  }
0xc7: {  	_ =	shalt  }
tec
execute0_lowered:
.L_overlay_start_1:
0x0: {  	(tag) =	ssettag $0x1  }
0x1: {  	s5 =	rddreg [dreg:$0x0]  }
0x2: {  	s2 =	rddreg [dreg:$0x1]  }
0x3: {  	s1 =	srdreg.scid;
	s6 =	rddreg [dreg:$0x2]  }
0x4: {  	s0 =	stileid.u32;
	s3 =	rddreg [dreg:$0x3];
	s1 =	sand.u32 $0x1, s1  }
0x5: {  	s4 =	simm.s32 $0x0;
	s7 =	sshll.u32 s0, $0xA;
	s8 =	sshll.u32 s1, $0x9  }
0x6: {  	[smem:$0x7FF] =	sst s4;
	s26 =	sadd.s32 $0x2000, s2;
	s7 =	sor.u32 s8, s7  }
0x7: {  	s10 =	sadd.s32 $0x10000, s3;
	_ =	strace $0x80000047;
	s8 =	sshrl.u32 s7, $0x3  }
0x8: {  	[dreg:$0x6] =	wrdreg s26;
	s7 =	sshll.u32 s7, $0x4;
	s5 =	sadd.s32 s5, s8  }
0x9: {  	p0 =	seq.s32 s0, $0x1;
	[dreg:$0x5] =	wrdreg s5;
	s5 =	sadd.s32 s6, s7  }
0xa: {  	s10 =	sshrl.u32 @p0 s10, $0x3;
	s6 =	sadd.s32 $0x400, s5;
	s9 =	rddreg [dreg:$0x5]  }
0xb: {  	s7 =	simm.s32 $0x6;
	[dreg:$0x7] =	wrdreg s6;
	s6 =	simm.s32 $0x1F48  }
0xc: {  	[tilespmem:s6], [sflag:$0x6] =	stream.linear.gather [hbm4b:s9+s4], $0x200, $0x38;
	[tilespmem:$0x12148] =	vst v63  }
0xd: {  	p1 =	sne.s32 @!p0 s0, $0x0;
	s11 =	simm.s32 @p0 $0x1C46;
	_ =	swait.ge [sflag:s7], $0x200  }
0xe: {  	s12 =	simm.s32 @p0 $0x6;
	s8 =	simm.s32 $0x40;
	[sflag:s7] =	ssyncset.done $0x0  }
0xf: {  	s9 =	simm.s32 $0x2148;
	s13 =	rddreg [dreg:$0x6];
	[sflag:s7] =	ssyncadd.s32 $0xFFFFFE00  }
0x10: {  	[tilespmem:s9], [sflag:$0x1] =	stream.indirect.gather [hbm4b:s2+s8], $0x80, s6, s8, $0xb8;
	[tilespmem:$0x12148] =	vst v63  }
0x11: {  	[spmem:s10], [sflag:s11] =	dma.local @p0 [hbm:s13], $0x1E90  }
0x12: {  	p1 =	por p1, p0;
	_ =	swait.ge @p0 [sflag:s12], $0x1E90  }
0x13: {  	s14 =	simm.s32 @!p1 $0x1C06;
	[sflag:s12] =	ssyncset.done @p0 $0x0  }
0x14: {  	s15 =	simm.s32 @!p1 $0x6;
	s13 =	sshrl.u32 @!p1 s3, $0x3;
	[sflag:s12] =	ssyncadd.s32 @p0 $0xFFFFE170  }
0x15: {  	[spmem:s13], [sflag:s14] =	dma.local @!p1 [hbm:s2], $0x2000  }
0x16: {  	_ =	swait.ge @!p1 [sflag:s15], $0x2000  }
0x17: {  	[sflag:s15] =	ssyncset.done @!p1 $0x0  }
0x18: {  	s16 =	simm.s32 $0x1;
	[sflag:s15] =	ssyncadd.s32 @!p1 $0xFFFFE000  }
0x19: {  	_ =	swait.ge [sflag:s16], $0x2000  }
0x1a: {  	[sflag:s16] =	ssyncset.done $0x0  }
0x1b: {  	s17 =	simm.s32 $0x80;
	[sflag:s16] =	ssyncadd.s32 $0xFFFFE000  }
0x1c: {  	[hbm4b:s5+s4] =	stream.linear.scatter [tilespmem:s9], [sflag:$0x5], $0x2000, $0x38;
	[tilespmem:$0x12148] =	vst v63  }
0x1d: {  	s18 =	simm.s32 $0x1F88;
	s19 =	simm.s32 $0x4148;
	[bflag:$0x0] =	sbarrier.arrive $0xFFFF  }
0x1e: {  	[tilespmem:s19], [sflag:$0x2] =	stream.indirect.gather [spmem:s3], $0x80, s18, s17, $0xb8;
	[tilespmem:$0x12148] =	vst v63  }
0x1f: {  	s20 =	simm.s32 $0x2008;
	s21 =	simm.s32 $0x8148;
	s22 =	simm.s32 $0xC0  }
0x20: {  	[tilespmem:s21], [sflag:$0x3] =	stream.indirect.gather [spmem:s3], $0x80, s20, s17, $0xb8;
	[tilespmem:$0x12148] =	vst v63  }
0x21: {  	s23 =	simm.s32 $0x2088;
	s24 =	simm.s32 $0xC148;
	s25 =	simm.s32 $0x2  }
0x22: {  	[tilespmem:s24], [sflag:$0x4] =	stream.indirect.gather [spmem:s3], $0x80, s23, s22, $0xb8;
	[tilespmem:$0x12148] =	vst v63  }
0x23: {  	_ =	swait.ge [sflag:s25], $0x4000  }
0x24: {  	[sflag:s25] =	ssyncset.done $0x0  }
0x25: {  	s26 =	rddreg [dreg:$0x7];
	[sflag:s25] =	ssyncadd.s32 $0xFFFFC000  }
0x26: {  	[hbm4b:s26+s4] =	stream.linear.scatter [tilespmem:s19], [sflag:$0x5], $0x4000, $0x38;
	[tilespmem:$0x12148] =	vst v63  }
0x27: {  	s26 =	simm.s32 $0x3  }
0x28: {  	_ =	swait.ge [sflag:s26], $0x4000  }
0x29: {  	[sflag:s26] =	ssyncset.done $0x0  }
0x2a: {  	s29 =	simm.s32 $0x4;
	s28 =	sadd.s32 $0xC00, s5;
	[sflag:s26] =	ssyncadd.s32 $0xFFFFC000  }
0x2b: {  	[hbm4b:s28+s4] =	stream.linear.scatter [tilespmem:s21], [sflag:$0x5], $0x4000, $0x38;
	[tilespmem:$0x12148] =	vst v63  }
0x2c: {  	_ =	swait.ge [sflag:s29], $0x6000  }
0x2d: {  	s30 =	simm.s32 $0x5;
	[sflag:s29] =	ssyncset.done $0x0  }
0x2e: {  	s1 =	ssub.s32 $0x2, s1;
	s31 =	sadd.s32 $0x1400, s5;
	[sflag:s29] =	ssyncadd.s32 $0xFFFFA000  }
0x2f: {  	[hbm4b:s31+s4] =	stream.linear.scatter [tilespmem:s24], [sflag:$0x5], $0x6000, $0x38;
	[tilespmem:$0x12148] =	vst v63  }
0x30: {  	s0 =	sshrl.u32 s1, $0x1;
	_ =	swait.ge [sflag:s30], $0x2000  }
0x31: {  	s0 =	ssub.s32 s1, s0;
	[sflag:s30] =	ssyncset.done $0x0  }
0x32: {  	s0 =	smax.u32 s0, $0x1;
	[sflag:s30] =	ssyncadd.s32 $0xFFFFE000  }
0x33: {  	s1 =	sadd.s32 $0xFFFFFFFF, s0;
	_ =	swait.ge [sflag:s30], $0x4000  }
0x34: {  	p2 =	sne.s32 s1, $0x0;
	[sflag:s30] =	ssyncset.done $0x0  }
.Ltmp0:
0x35: {  	[sflag:s30] =	ssyncadd.s32 $0xFFFFC000;
	(pc) =	sbr.rel @!p2 .LBB2_2-.Ltmp0, $4  }
0x36: {  	_ =	swait.ge [sflag:s30], $0x4000  }
0x37: {  	[sflag:s30] =	ssyncset.done $0x0  }
0x38: {  	[sflag:s30] =	ssyncadd.s32 $0xFFFFC000  }
0x39: {  	_ =	swait.ge [sflag:s30], $0x6000  }
.LBB2_1:
0x3a: {  	[sflag:s30] =	ssyncset.done $0x0  }
0x3b: {  	s0 =	rddreg [dreg:$0x5];
	[sflag:s30] =	ssyncadd.s32 $0xFFFFA000  }
0x3c: {  	[tilespmem:s6], [sflag:$0x6] =	stream.linear.gather [hbm4b:s0+s4], $0x200, $0x38;
	[tilespmem:$0x12148] =	vst v63  }
0x3d: {  	_ =	swait.ge [sflag:s7], $0x200  }
0x3e: {  	[sflag:s7] =	ssyncset.done $0x0  }
0x3f: {  	s0 =	rddreg [dreg:$0x6];
	[sflag:s7] =	ssyncadd.s32 $0xFFFFFE00  }
0x40: {  	[tilespmem:s9], [sflag:$0x1] =	stream.indirect.gather [hbm4b:s2+s8], $0x80, s6, s8, $0xb8;
	[tilespmem:$0x12148] =	vst v63  }
0x41: {  	[spmem:s10], [sflag:s11] =	dma.local @p0 [hbm:s0], $0x1E90  }
0x42: {  	_ =	swait.ge @p0 [sflag:s12], $0x1E90  }
0x43: {  	[sflag:s12] =	ssyncset.done @p0 $0x0  }
0x44: {  	[sflag:s12] =	ssyncadd.s32 @p0 $0xFFFFE170  }
0x45: {  	[spmem:s13], [sflag:s14] =	dma.local @!p1 [hbm:s2], $0x2000  }
0x46: {  	_ =	swait.ge @!p1 [sflag:s15], $0x2000  }
0x47: {  	[sflag:s15] =	ssyncset.done @!p1 $0x0  }
0x48: {  	[sflag:s15] =	ssyncadd.s32 @!p1 $0xFFFFE000  }
0x49: {  	_ =	swait.ge [sflag:s16], $0x2000  }
0x4a: {  	[sflag:s16] =	ssyncset.done $0x0  }
0x4b: {  	[sflag:s16] =	ssyncadd.s32 $0xFFFFE000  }
0x4c: {  	[hbm4b:s5+s4] =	stream.linear.scatter [tilespmem:s9], [sflag:$0x5], $0x2000, $0x38;
	[tilespmem:$0x12148] =	vst v63  }
0x4d: {  	[bflag:$0x0] =	sbarrier.arrive $0xFFFF  }
0x4e: {  	[tilespmem:s19], [sflag:$0x2] =	stream.indirect.gather [spmem:s3], $0x80, s18, s17, $0xb8;
	[tilespmem:$0x12148] =	vst v63  }
0x4f: {  	_ = 	snop  }
0x50: {  	[tilespmem:s21], [sflag:$0x3] =	stream.indirect.gather [spmem:s3], $0x80, s20, s17, $0xb8;
	[tilespmem:$0x12148] =	vst v63  }
0x51: {  	_ = 	snop  }
0x52: {  	[tilespmem:s24], [sflag:$0x4] =	stream.indirect.gather [spmem:s3], $0x80, s23, s22, $0xb8;
	[tilespmem:$0x12148] =	vst v63  }
0x53: {  	_ =	swait.ge [sflag:s25], $0x4000  }
0x54: {  	[sflag:s25] =	ssyncset.done $0x0  }
0x55: {  	s0 =	rddreg [dreg:$0x7];
	[sflag:s25] =	ssyncadd.s32 $0xFFFFC000  }
0x56: {  	[hbm4b:s0+s4] =	stream.linear.scatter [tilespmem:s19], [sflag:$0x5], $0x4000, $0x38;
	[tilespmem:$0x12148] =	vst v63  }
0x57: {  	_ =	swait.ge [sflag:s26], $0x4000  }
0x58: {  	[sflag:s26] =	ssyncset.done $0x0  }
0x59: {  	[sflag:s26] =	ssyncadd.s32 $0xFFFFC000  }
0x5a: {  	[hbm4b:s28+s4] =	stream.linear.scatter [tilespmem:s21], [sflag:$0x5], $0x4000, $0x38;
	[tilespmem:$0x12148] =	vst v63  }
0x5b: {  	_ =	swait.ge [sflag:s29], $0x6000  }
0x5c: {  	[sflag:s29] =	ssyncset.done $0x0  }
0x5d: {  	[sflag:s29] =	ssyncadd.s32 $0xFFFFA000  }
0x5e: {  	[hbm4b:s31+s4] =	stream.linear.scatter [tilespmem:s24], [sflag:$0x5], $0x6000, $0x38;
	[tilespmem:$0x12148] =	vst v63  }
0x5f: {  	_ =	swait.ge [sflag:s30], $0x2000  }
0x60: {  	[sflag:s30] =	ssyncset.done $0x0  }
0x61: {  	[sflag:s30] =	ssyncadd.s32 $0xFFFFE000  }
0x62: {  	s1 =	sadd.s32 $0xFFFFFFFF, s1;
	_ =	swait.ge [sflag:s30], $0x4000  }
0x63: {  	p2 =	sne.s32 s1, $0x0;
	[sflag:s30] =	ssyncset.done $0x0  }
.Ltmp1:
0x64: {  	[sflag:s30] =	ssyncadd.s32 $0xFFFFC000;
	(pc) =	sbr.rel @p2 .LBB2_1-.Ltmp1, $4  }
0x65: {  	_ =	swait.ge [sflag:s30], $0x4000  }
0x66: {  	[sflag:s30] =	ssyncset.done $0x0  }
0x67: {  	[sflag:s30] =	ssyncadd.s32 $0xFFFFC000  }
0x68: {  	_ =	swait.ge [sflag:s30], $0x6000  }
.LBB2_2:
0x69: {  	[sflag:s30] =	ssyncset.done $0x0  }
0x6a: {  	[sflag:s30] =	ssyncadd.s32 $0xFFFFA000  }
0x6b: {  	_ =	sfence.sel $0x180000  }
0x6c: {  	[bflag:$0x0] =	sbarrier.arrive $0xFFFF  }
0x6d: {  	_ =	strace $0x90000047  }
0x6e: {  	s0 =	stileid.u32;
	[bflag:$0x2] =	sbarrier.arrive $0xFFFF  }
0x6f: {  	p0 =	sne.s32 s0, $0x0;
	s0 =	rddreg [dreg:$0x4]  }
0x70: {  	s0 =	sadd.s32 @!p0 $0x100000, s0  }
0x71: {  	[sflag:s0] =	ssyncadd.tile.s32 @!p0 $0x1;
	_ =	shalt  }
.Lfunc_end2:
_tile_overlayer_lowered:
.L_overlay_start_2:
0x72: {  	(tag) =	ssettag $0x2  }
0x73: {  	s0 =	rddreg [dreg:$0x0];
	s2 =	stileid.u32  }
0x74: {  	s1 =	rddreg [dreg:$0x1];
	p0 =	sne.s32 s2, $0x0  }
0x75: {  	s3 =	rddreg [dreg:$0x2];
	[bflag:$0x3] =	sbarrier.arrive $0xFFFF;
	s2 =	simm.s32 @!p0 $0x1C06  }
0x76: {  	[timem:s3], [sflag:s2] =	dma.local @!p0 [hbm:s0], s1  }
0x77: {  	s0 =	simm.s32 @!p0 $0x6  }
0x78: {  	_ =	swait.ge @!p0 [sflag:s0], s1  }
0x79: {  	s1 =	ssub.s32 @!p0 $0x0, s1;
	[sflag:s0] =	ssyncset.done @!p0 $0x0  }
0x7a: {  	[sflag:s0] =	ssyncadd.s32 @!p0 s1  }
0x7b: {  	[bflag:$0x3] =	sbarrier.arrive $0xFFFF  }
0x7c: {  	_ =	shalt  }

</sc_bundles>
